<compile_context>
chip_gen: v7x
topology: tpu7x:2x2x1
jax: 0.10.2.dev20260603
libtpu: 0.0.44.dev20260713+nightly
codegen_flags: <defaults>
</compile_context>

<pallas_src>
import functools

import jax
import jax.numpy as jnp
from jax.experimental import pallas as pl
from jax.experimental.pallas import tpu as pltpu


def _gat_block(params_ref, nodes_ref, nb_ref, ap_ref, wt_ref, vb1_ref,
               vb2_ref, sel_ref, out_ref):
    deg = sel_ref.shape[0]
    F = nodes_ref.shape[1]
    u = params_ref[0, :]
    b_out = params_ref[3, :]
    c = params_ref[4, 0]

    nodes = nodes_ref[...]
    nb4 = nb_ref[...]
    ap4 = ap_ref[...]

    st = jnp.sum(nodes * u[None, :], axis=-1) + c
    s = (jnp.dot(nb4, vb1_ref[...], preferred_element_type=jnp.float32)
         + jnp.dot(ap4, vb2_ref[...],
                   preferred_element_type=jnp.float32))
    s = s + st[:, None]
    s = jnp.where(s >= 0.0, s, 0.2 * s)
    e = jnp.exp(s)
    rinv = 1.0 / (jnp.sum(e, axis=1, keepdims=True) + 1e-16)
    e_bc = jnp.dot(e, sel_ref[...],
                   preferred_element_type=jnp.float32)

    acc = nb4[:, :F] * e_bc[:, :F]
    for k in range(1, deg):
        acc = acc + nb4[:, k * F:(k + 1) * F] * e_bc[:, k * F:(k + 1) * F]
    weighted = acc * rinv
    out = jnp.dot(weighted, wt_ref[...],
                  preferred_element_type=jnp.float32) + b_out[None, :]
    out_ref[...] = jnp.where(out > 0.0, out, jnp.exp(out) - 1.0)


@functools.partial(jax.jit, static_argnames=("block_n",))
def _gat_forward(nodes, neighbors, aspects, W, Wa, ba, a_src, a_tgt, bias,
                 block_n=200):
    N, F = nodes.shape
    deg = neighbors.shape[1]
    D = W.shape[0]

    u = a_tgt @ W
    g = a_src @ Wa
    v1 = g[:D] @ W
    v2 = g[D:] @ W
    c = jnp.dot(a_src, ba)
    params = jnp.zeros((8, F), dtype=jnp.float32)
    params = params.at[0].set(u).at[3, :D].set(bias).at[4, 0].set(c)

    eye = jnp.eye(deg, dtype=jnp.float32)
    vb1 = (eye[:, None, :] * v1[None, :, None]).reshape(deg * F, deg)
    vb2 = (eye[:, None, :] * v2[None, :, None]).reshape(deg * F, deg)
    sel = jnp.repeat(eye, F, axis=1)

    nb2 = neighbors.reshape(N, deg * F)
    ap2 = aspects.reshape(N, deg * F)

    grid = (N // block_n,)
    return pl.pallas_call(
        _gat_block,
        grid=grid,
        in_specs=[
            pl.BlockSpec((8, F), lambda i: (0, 0)),
            pl.BlockSpec((block_n, F), lambda i: (i, 0)),
            pl.BlockSpec((block_n, deg * F), lambda i: (i, 0)),
            pl.BlockSpec((block_n, deg * F), lambda i: (i, 0)),
            pl.BlockSpec((F, D), lambda i: (0, 0)),
            pl.BlockSpec((deg * F, deg), lambda i: (0, 0)),
            pl.BlockSpec((deg * F, deg), lambda i: (0, 0)),
            pl.BlockSpec((deg, deg * F), lambda i: (0, 0)),
        ],
        out_specs=pl.BlockSpec((block_n, D), lambda i: (i, 0)),
        out_shape=jax.ShapeDtypeStruct((N, D), jnp.float32),
        compiler_params=pltpu.CompilerParams(
            dimension_semantics=(pltpu.PARALLEL,)),
    )(params, nodes, nb2, ap2, W.T, vb1, vb2, sel)


def kernel(nodes, neighbors, aspects, W, Wa, ba, a_src, a_tgt, bias):
    return _gat_forward(nodes, neighbors, aspects, W, Wa, ba, a_src, a_tgt,
                        bias)

# --- scband reference (transcript-rebuilt; emitter-appended) ---
"""Pipeline reference for scband-gataspects-15307263443308 (READ-ONLY COPY).

The authoritative reference and input builder live on the scoring server;
editing this copy changes nothing except your own understanding.
"""

import jax, jax.numpy as jnp
import numpy as np


def setup_inputs(seed: int = 0) -> dict:
    key = jax.random.key(seed)
    ks = jax.random.split(key, 8)
    N, deg, F, D = 10000, 16, 256, 256
    nodes = jax.random.normal(ks[0], (N, F), dtype=jnp.float32)
    neighbors = jax.random.normal(ks[1], (N, deg, F), dtype=jnp.float32)
    aspects = jax.random.normal(ks[2], (N, deg, F), dtype=jnp.float32)
    # linear_proj weight (torch Linear: [out, in]), xavier-ish scale
    W = jax.random.normal(ks[3], (D, F), dtype=jnp.float32) * (1.0 / np.sqrt(F))
    # aspect_linear_proj: Linear(2*F -> D), with bias
    Wa = jax.random.normal(ks[4], (D, 2 * F), dtype=jnp.float32) * (1.0 / np.sqrt(2 * F))
    ba = jnp.zeros((D,), dtype=jnp.float32)
    # scoring_fn_source / scoring_fn_target, original shape [1, 1, D] -> flattened [D]
    a_src = jax.random.normal(ks[5], (D,), dtype=jnp.float32) * (1.0 / np.sqrt(D))
    a_tgt = jax.random.normal(ks[6], (D,), dtype=jnp.float32) * (1.0 / np.sqrt(D))
    bias = jnp.zeros((D,), dtype=jnp.float32)
    return {"nodes": nodes, "neighbors": neighbors, "aspects": aspects,
            "W": W, "Wa": Wa, "ba": ba, "a_src": a_src, "a_tgt": a_tgt, "bias": bias}


def reference(nodes, neighbors, aspects, W, Wa, ba, a_src, a_tgt, bias):
    # GATAspects forward, eval mode (dropout = identity), num_of_heads = 1,
    # aspects_method='linear', concat=True, activation=ELU, bias=True.
    # The original per-node Python loop over neighbors[i]/aspects[i] is
    # vectorized over the leading N dimension; math is identical.
    nodes_proj = nodes @ W.T                                  # [N, D]
    scores_target = jnp.sum(nodes_proj * a_tgt, axis=-1)      # [N]
    neigh_proj = neighbors @ W.T                              # [N, deg, D]
    asp_proj = aspects @ W.T                                  # [N, deg, D]
    cat = jnp.concatenate([neigh_proj, asp_proj], axis=-1)    # [N, deg, 2D]
    nap = cat @ Wa.T + ba                                     # [N, deg, D]
    scores_source = jnp.sum(nap * a_src, axis=-1)             # [N, deg]
    scores_per_edge = jax.nn.leaky_relu(
        scores_source + scores_target[:, None], negative_slope=0.2)
    exp_scores = jnp.exp(scores_per_edge)
    denom = jnp.sum(exp_scores, axis=1, keepdims=True)        # per-node softmax denom
    attn = exp_scores / (denom + 1e-16)                       # [N, deg]
    out = jnp.sum(neigh_proj * attn[..., None], axis=1)       # [N, D]
    out = out + bias                                          # skip_concat_bias (concat=True, heads=1)
    return jax.nn.elu(out)

if __name__ == "__main__":
    import jax
    _d = setup_inputs()
    print(jax.jit(kernel)(*tuple(_d.values())))

</pallas_src>

<mosaic_0001>
module attributes {stable_mosaic.version = 14 : i64} {
  func.func @_gat_block(%arg0: i32, %arg1: memref<8x256xf32, #tpu.memory_space<vmem>>, %arg2: memref<200x256xf32, #tpu.memory_space<vmem>>, %arg3: memref<200x4096xf32, #tpu.memory_space<vmem>>, %arg4: memref<200x4096xf32, #tpu.memory_space<vmem>>, %arg5: memref<256x256xf32, #tpu.memory_space<vmem>>, %arg6: memref<4096x16xf32, #tpu.memory_space<vmem>>, %arg7: memref<4096x16xf32, #tpu.memory_space<vmem>>, %arg8: memref<16x4096xf32, #tpu.memory_space<vmem>>, %arg9: memref<200x256xf32, #tpu.memory_space<vmem>>) attributes {dimension_semantics = [#tpu.dimension_semantics<parallel>], iteration_bounds = array<i64: 50>, scalar_prefetch = 0 : i64, scratch_operands = 0 : i64, tpu.core_type = #tpu.core_type<tc>, window_params = [{pipeline_mode = #tpu.pipeline_mode<synchronous>, transform_indices = @transform_0, window_bounds = array<i64: 8, 256>}, {transform_indices = @transform_1, window_bounds = array<i64: 200, 256>}, {transform_indices = @transform_2, window_bounds = array<i64: 200, 4096>}, {transform_indices = @transform_3, window_bounds = array<i64: 200, 4096>}, {pipeline_mode = #tpu.pipeline_mode<synchronous>, transform_indices = @transform_4, window_bounds = array<i64: 256, 256>}, {pipeline_mode = #tpu.pipeline_mode<synchronous>, transform_indices = @transform_5, window_bounds = array<i64: 4096, 16>}, {pipeline_mode = #tpu.pipeline_mode<synchronous>, transform_indices = @transform_6, window_bounds = array<i64: 4096, 16>}, {pipeline_mode = #tpu.pipeline_mode<synchronous>, transform_indices = @transform_7, window_bounds = array<i64: 16, 4096>}, {transform_indices = @transform_8, window_bounds = array<i64: 200, 256>}]} {
    %get3A = arith.constant 0 : index
    %get3A_0 = arith.constant 0 : index
    %get3A_1 = vector.load %arg1[%get3A, %get3A_0] : memref<8x256xf32, #tpu.memory_space<vmem>>, vector<1x256xf32>
    %get3A_2 = vector.shape_cast %get3A_1 : vector<1x256xf32> to vector<256xf32>
    %get3A_3 = arith.constant 3 : index
    %get3A_4 = arith.constant 0 : index
    %get3A_5 = vector.load %arg1[%get3A_3, %get3A_4] : memref<8x256xf32, #tpu.memory_space<vmem>>, vector<1x256xf32>
    %get3A_6 = vector.shape_cast %get3A_5 : vector<1x256xf32> to vector<256xf32>
    %get3A_7 = arith.constant 4 : index
    %get3A_8 = arith.constant 0 : index
    %get3A_9 = vector.load %arg1[%get3A_7, %get3A_8] : memref<8x256xf32, #tpu.memory_space<vmem>>, vector<1x1xf32>
    %get3A_10 = vector.extract %get3A_9[0, 0] : f32 from vector<1x1xf32>
    %get3A_11 = arith.constant 0 : index
    %get3A_12 = arith.constant 0 : index
    %get3A_13 = vector.load %arg2[%get3A_11, %get3A_12] : memref<200x256xf32, #tpu.memory_space<vmem>>, vector<200x256xf32>
    %get3A_14 = arith.constant 0 : index
    %get3A_15 = arith.constant 0 : index
    %get3A_16 = vector.load %arg3[%get3A_14, %get3A_15] : memref<200x4096xf32, #tpu.memory_space<vmem>>, vector<200x4096xf32>
    %get3A_17 = arith.constant 0 : index
    %get3A_18 = arith.constant 0 : index
    %get3A_19 = vector.load %arg4[%get3A_17, %get3A_18] : memref<200x4096xf32, #tpu.memory_space<vmem>>, vector<200x4096xf32>
    %broadcast_in_dim3A = vector.shape_cast %get3A_2 : vector<256xf32> to vector<1x256xf32>
    %mul3A = vector.broadcast %broadcast_in_dim3A : vector<1x256xf32> to vector<200x256xf32>
    %mul3A_20 = arith.mulf %get3A_13, %mul3A : vector<200x256xf32>
    %reduce_sum3A = arith.constant dense<0.000000e+00> : vector<200xf32>
    %reduce_sum3A_21 = vector.multi_reduction <add>, %mul3A_20, %reduce_sum3A [1] : vector<200x256xf32> to vector<200xf32>
    %add3A = vector.broadcast %get3A_10 : f32 to vector<200xf32>
    %add3A_22 = arith.addf %reduce_sum3A_21, %add3A : vector<200xf32>
    %get3A_23 = arith.constant 0 : index
    %get3A_24 = arith.constant 0 : index
    %get3A_25 = vector.load %arg6[%get3A_23, %get3A_24] : memref<4096x16xf32, #tpu.memory_space<vmem>>, vector<4096x16xf32>
    %dot_general3A = arith.constant dense<0.000000e+00> : vector<200x16xf32>
    %dot_general3A_26 = tpu.matmul %get3A_16, %get3A_25, %dot_general3A {dimension_numbers = #tpu.dot_dimension_numbers<[1], [0], [0], [1], [0, 0, 1, 1], [], []>, transpose_lhs_hint = false} : vector<200x4096xf32>, vector<4096x16xf32>, vector<200x16xf32> -> vector<200x16xf32>
    %get3A_27 = arith.constant 0 : index
    %get3A_28 = arith.constant 0 : index
    %get3A_29 = vector.load %arg7[%get3A_27, %get3A_28] : memref<4096x16xf32, #tpu.memory_space<vmem>>, vector<4096x16xf32>
    %dot_general3A_30 = arith.constant dense<0.000000e+00> : vector<200x16xf32>
    %dot_general3A_31 = tpu.matmul %get3A_19, %get3A_29, %dot_general3A_30 {dimension_numbers = #tpu.dot_dimension_numbers<[1], [0], [0], [1], [0, 0, 1, 1], [], []>, transpose_lhs_hint = false} : vector<200x4096xf32>, vector<4096x16xf32>, vector<200x16xf32> -> vector<200x16xf32>
    %add3A_32 = arith.addf %dot_general3A_26, %dot_general3A_31 : vector<200x16xf32>
    %broadcast_in_dim3A_33 = vector.shape_cast %add3A_22 : vector<200xf32> to vector<200x1xf32>
    %add3A_34 = vector.broadcast %broadcast_in_dim3A_33 : vector<200x1xf32> to vector<200x16xf32>
    %add3A_35 = arith.addf %add3A_32, %add3A_34 : vector<200x16xf32>
    %ge3A = arith.constant 0.000000e+00 : f32
    %ge3A_36 = vector.broadcast %ge3A : f32 to vector<200x16xf32>
    %ge3A_37 = arith.cmpf oge, %add3A_35, %ge3A_36 : vector<200x16xf32>
    %mul3A_38 = arith.constant 2.000000e-01 : f32
    %mul3A_39 = vector.broadcast %mul3A_38 : f32 to vector<200x16xf32>
    %mul3A_40 = arith.mulf %mul3A_39, %add3A_35 : vector<200x16xf32>
    %select_n3A = arith.select %ge3A_37, %add3A_35, %mul3A_40 : vector<200x16xi1>, vector<200x16xf32>
    %exp3A = math.exp %select_n3A : vector<200x16xf32>
    %reduce_sum3A_41 = arith.constant dense<0.000000e+00> : vector<200xf32>
    %reduce_sum3A_42 = vector.multi_reduction <add>, %exp3A, %reduce_sum3A_41 [1] : vector<200x16xf32> to vector<200xf32>
    %broadcast_in_dim3A_43 = vector.shape_cast %reduce_sum3A_42 : vector<200xf32> to vector<200x1xf32>
    %add3A_44 = arith.constant 1.000000e-16 : f32
    %add3A_45 = vector.broadcast %add3A_44 : f32 to vector<200x1xf32>
    %add3A_46 = arith.addf %broadcast_in_dim3A_43, %add3A_45 : vector<200x1xf32>
    %div3A = arith.constant 1.000000e+00 : f32
    %div3A_47 = vector.broadcast %div3A : f32 to vector<200x1xf32>
    %div3A_48 = arith.divf %div3A_47, %add3A_46 : vector<200x1xf32>
    %get3A_49 = arith.constant 0 : index
    %get3A_50 = arith.constant 0 : index
    %get3A_51 = vector.load %arg8[%get3A_49, %get3A_50] : memref<16x4096xf32, #tpu.memory_space<vmem>>, vector<16x4096xf32>
    %dot_general3A_52 = arith.constant dense<0.000000e+00> : vector<200x4096xf32>
    %dot_general3A_53 = tpu.matmul %exp3A, %get3A_51, %dot_general3A_52 {dimension_numbers = #tpu.dot_dimension_numbers<[1], [0], [0], [1], [0, 0, 1, 1], [], []>, transpose_lhs_hint = false} : vector<200x16xf32>, vector<16x4096xf32>, vector<200x4096xf32> -> vector<200x4096xf32>
    %slice3A = vector.extract_strided_slice %get3A_16 {offsets = [0, 0], sizes = [200, 256], strides = [1, 1]} : vector<200x4096xf32> to vector<200x256xf32>
    %slice3A_54 = vector.extract_strided_slice %dot_general3A_53 {offsets = [0, 0], sizes = [200, 256], strides = [1, 1]} : vector<200x4096xf32> to vector<200x256xf32>
    %mul3A_55 = arith.mulf %slice3A, %slice3A_54 : vector<200x256xf32>
    %slice3A_56 = vector.extract_strided_slice %get3A_16 {offsets = [0, 256], sizes = [200, 256], strides = [1, 1]} : vector<200x4096xf32> to vector<200x256xf32>
    %slice3A_57 = vector.extract_strided_slice %dot_general3A_53 {offsets = [0, 256], sizes = [200, 256], strides = [1, 1]} : vector<200x4096xf32> to vector<200x256xf32>
    %mul3A_58 = arith.mulf %slice3A_56, %slice3A_57 : vector<200x256xf32>
    %add3A_59 = arith.addf %mul3A_55, %mul3A_58 : vector<200x256xf32>
    %slice3A_60 = vector.extract_strided_slice %get3A_16 {offsets = [0, 512], sizes = [200, 256], strides = [1, 1]} : vector<200x4096xf32> to vector<200x256xf32>
    %slice3A_61 = vector.extract_strided_slice %dot_general3A_53 {offsets = [0, 512], sizes = [200, 256], strides = [1, 1]} : vector<200x4096xf32> to vector<200x256xf32>
    %mul3A_62 = arith.mulf %slice3A_60, %slice3A_61 : vector<200x256xf32>
    %add3A_63 = arith.addf %add3A_59, %mul3A_62 : vector<200x256xf32>
    %slice3A_64 = vector.extract_strided_slice %get3A_16 {offsets = [0, 768], sizes = [200, 256], strides = [1, 1]} : vector<200x4096xf32> to vector<200x256xf32>
    %slice3A_65 = vector.extract_strided_slice %dot_general3A_53 {offsets = [0, 768], sizes = [200, 256], strides = [1, 1]} : vector<200x4096xf32> to vector<200x256xf32>
    %mul3A_66 = arith.mulf %slice3A_64, %slice3A_65 : vector<200x256xf32>
    %add3A_67 = arith.addf %add3A_63, %mul3A_66 : vector<200x256xf32>
    %slice3A_68 = vector.extract_strided_slice %get3A_16 {offsets = [0, 1024], sizes = [200, 256], strides = [1, 1]} : vector<200x4096xf32> to vector<200x256xf32>
    %slice3A_69 = vector.extract_strided_slice %dot_general3A_53 {offsets = [0, 1024], sizes = [200, 256], strides = [1, 1]} : vector<200x4096xf32> to vector<200x256xf32>
    %mul3A_70 = arith.mulf %slice3A_68, %slice3A_69 : vector<200x256xf32>
    %add3A_71 = arith.addf %add3A_67, %mul3A_70 : vector<200x256xf32>
    %slice3A_72 = vector.extract_strided_slice %get3A_16 {offsets = [0, 1280], sizes = [200, 256], strides = [1, 1]} : vector<200x4096xf32> to vector<200x256xf32>
    %slice3A_73 = vector.extract_strided_slice %dot_general3A_53 {offsets = [0, 1280], sizes = [200, 256], strides = [1, 1]} : vector<200x4096xf32> to vector<200x256xf32>
    %mul3A_74 = arith.mulf %slice3A_72, %slice3A_73 : vector<200x256xf32>
    %add3A_75 = arith.addf %add3A_71, %mul3A_74 : vector<200x256xf32>
    %slice3A_76 = vector.extract_strided_slice %get3A_16 {offsets = [0, 1536], sizes = [200, 256], strides = [1, 1]} : vector<200x4096xf32> to vector<200x256xf32>
    %slice3A_77 = vector.extract_strided_slice %dot_general3A_53 {offsets = [0, 1536], sizes = [200, 256], strides = [1, 1]} : vector<200x4096xf32> to vector<200x256xf32>
    %mul3A_78 = arith.mulf %slice3A_76, %slice3A_77 : vector<200x256xf32>
    %add3A_79 = arith.addf %add3A_75, %mul3A_78 : vector<200x256xf32>
    %slice3A_80 = vector.extract_strided_slice %get3A_16 {offsets = [0, 1792], sizes = [200, 256], strides = [1, 1]} : vector<200x4096xf32> to vector<200x256xf32>
    %slice3A_81 = vector.extract_strided_slice %dot_general3A_53 {offsets = [0, 1792], sizes = [200, 256], strides = [1, 1]} : vector<200x4096xf32> to vector<200x256xf32>
    %mul3A_82 = arith.mulf %slice3A_80, %slice3A_81 : vector<200x256xf32>
    %add3A_83 = arith.addf %add3A_79, %mul3A_82 : vector<200x256xf32>
    %slice3A_84 = vector.extract_strided_slice %get3A_16 {offsets = [0, 2048], sizes = [200, 256], strides = [1, 1]} : vector<200x4096xf32> to vector<200x256xf32>
    %slice3A_85 = vector.extract_strided_slice %dot_general3A_53 {offsets = [0, 2048], sizes = [200, 256], strides = [1, 1]} : vector<200x4096xf32> to vector<200x256xf32>
    %mul3A_86 = arith.mulf %slice3A_84, %slice3A_85 : vector<200x256xf32>
    %add3A_87 = arith.addf %add3A_83, %mul3A_86 : vector<200x256xf32>
    %slice3A_88 = vector.extract_strided_slice %get3A_16 {offsets = [0, 2304], sizes = [200, 256], strides = [1, 1]} : vector<200x4096xf32> to vector<200x256xf32>
    %slice3A_89 = vector.extract_strided_slice %dot_general3A_53 {offsets = [0, 2304], sizes = [200, 256], strides = [1, 1]} : vector<200x4096xf32> to vector<200x256xf32>
    %mul3A_90 = arith.mulf %slice3A_88, %slice3A_89 : vector<200x256xf32>
    %add3A_91 = arith.addf %add3A_87, %mul3A_90 : vector<200x256xf32>
    %slice3A_92 = vector.extract_strided_slice %get3A_16 {offsets = [0, 2560], sizes = [200, 256], strides = [1, 1]} : vector<200x4096xf32> to vector<200x256xf32>
    %slice3A_93 = vector.extract_strided_slice %dot_general3A_53 {offsets = [0, 2560], sizes = [200, 256], strides = [1, 1]} : vector<200x4096xf32> to vector<200x256xf32>
    %mul3A_94 = arith.mulf %slice3A_92, %slice3A_93 : vector<200x256xf32>
    %add3A_95 = arith.addf %add3A_91, %mul3A_94 : vector<200x256xf32>
    %slice3A_96 = vector.extract_strided_slice %get3A_16 {offsets = [0, 2816], sizes = [200, 256], strides = [1, 1]} : vector<200x4096xf32> to vector<200x256xf32>
    %slice3A_97 = vector.extract_strided_slice %dot_general3A_53 {offsets = [0, 2816], sizes = [200, 256], strides = [1, 1]} : vector<200x4096xf32> to vector<200x256xf32>
    %mul3A_98 = arith.mulf %slice3A_96, %slice3A_97 : vector<200x256xf32>
    %add3A_99 = arith.addf %add3A_95, %mul3A_98 : vector<200x256xf32>
    %slice3A_100 = vector.extract_strided_slice %get3A_16 {offsets = [0, 3072], sizes = [200, 256], strides = [1, 1]} : vector<200x4096xf32> to vector<200x256xf32>
    %slice3A_101 = vector.extract_strided_slice %dot_general3A_53 {offsets = [0, 3072], sizes = [200, 256], strides = [1, 1]} : vector<200x4096xf32> to vector<200x256xf32>
    %mul3A_102 = arith.mulf %slice3A_100, %slice3A_101 : vector<200x256xf32>
    %add3A_103 = arith.addf %add3A_99, %mul3A_102 : vector<200x256xf32>
    %slice3A_104 = vector.extract_strided_slice %get3A_16 {offsets = [0, 3328], sizes = [200, 256], strides = [1, 1]} : vector<200x4096xf32> to vector<200x256xf32>
    %slice3A_105 = vector.extract_strided_slice %dot_general3A_53 {offsets = [0, 3328], sizes = [200, 256], strides = [1, 1]} : vector<200x4096xf32> to vector<200x256xf32>
    %mul3A_106 = arith.mulf %slice3A_104, %slice3A_105 : vector<200x256xf32>
    %add3A_107 = arith.addf %add3A_103, %mul3A_106 : vector<200x256xf32>
    %slice3A_108 = vector.extract_strided_slice %get3A_16 {offsets = [0, 3584], sizes = [200, 256], strides = [1, 1]} : vector<200x4096xf32> to vector<200x256xf32>
    %slice3A_109 = vector.extract_strided_slice %dot_general3A_53 {offsets = [0, 3584], sizes = [200, 256], strides = [1, 1]} : vector<200x4096xf32> to vector<200x256xf32>
    %mul3A_110 = arith.mulf %slice3A_108, %slice3A_109 : vector<200x256xf32>
    %add3A_111 = arith.addf %add3A_107, %mul3A_110 : vector<200x256xf32>
    %slice3A_112 = vector.extract_strided_slice %get3A_16 {offsets = [0, 3840], sizes = [200, 256], strides = [1, 1]} : vector<200x4096xf32> to vector<200x256xf32>
    %slice3A_113 = vector.extract_strided_slice %dot_general3A_53 {offsets = [0, 3840], sizes = [200, 256], strides = [1, 1]} : vector<200x4096xf32> to vector<200x256xf32>
    %mul3A_114 = arith.mulf %slice3A_112, %slice3A_113 : vector<200x256xf32>
    %add3A_115 = arith.addf %add3A_111, %mul3A_114 : vector<200x256xf32>
    %mul3A_116 = vector.broadcast %div3A_48 : vector<200x1xf32> to vector<200x256xf32>
    %mul3A_117 = arith.mulf %add3A_115, %mul3A_116 : vector<200x256xf32>
    %get3A_118 = arith.constant 0 : index
    %get3A_119 = arith.constant 0 : index
    %get3A_120 = vector.load %arg5[%get3A_118, %get3A_119] : memref<256x256xf32, #tpu.memory_space<vmem>>, vector<256x256xf32>
    %dot_general3A_121 = arith.constant dense<0.000000e+00> : vector<200x256xf32>
    %dot_general3A_122 = tpu.matmul %mul3A_117, %get3A_120, %dot_general3A_121 {dimension_numbers = #tpu.dot_dimension_numbers<[1], [0], [0], [1], [0, 0, 1, 1], [], []>, transpose_lhs_hint = false} : vector<200x256xf32>, vector<256x256xf32>, vector<200x256xf32> -> vector<200x256xf32>
    %broadcast_in_dim3A_123 = vector.shape_cast %get3A_6 : vector<256xf32> to vector<1x256xf32>
    %add3A_124 = vector.broadcast %broadcast_in_dim3A_123 : vector<1x256xf32> to vector<200x256xf32>
    %add3A_125 = arith.addf %dot_general3A_122, %add3A_124 : vector<200x256xf32>
    %gt3A = arith.constant 0.000000e+00 : f32
    %gt3A_126 = vector.broadcast %gt3A : f32 to vector<200x256xf32>
    %gt3A_127 = arith.cmpf ogt, %add3A_125, %gt3A_126 : vector<200x256xf32>
    %exp3A_128 = math.exp %add3A_125 : vector<200x256xf32>
    %sub3A = arith.constant 1.000000e+00 : f32
    %sub3A_129 = vector.broadcast %sub3A : f32 to vector<200x256xf32>
    %sub3A_130 = arith.subf %exp3A_128, %sub3A_129 : vector<200x256xf32>
    %select_n3A_131 = arith.select %gt3A_127, %add3A_125, %sub3A_130 : vector<200x256xi1>, vector<200x256xf32>
    %swap3A = arith.constant 0 : index
    %swap3A_132 = arith.constant 0 : index
    %swap3A_133 = vector.load %arg9[%swap3A, %swap3A_132] : memref<200x256xf32, #tpu.memory_space<vmem>>, vector<200x256xf32>
    tpu.vector_store %arg9[%swap3A, %swap3A_132], %select_n3A_131 {strides = array<i32>} : memref<200x256xf32, #tpu.memory_space<vmem>>, vector<200x256xf32>,
    return
  }
  func.func @transform_0(%arg0: i32) -> (i32, i32) {
    %c0_i32 = arith.constant 0 : i32
    %c0_i32_0 = arith.constant 0 : i32
    %c0_i32_1 = arith.constant 0 : i32
    return %c0_i32, %c0_i32_0 : i32, i32
  }
  func.func @transform_1(%arg0: i32) -> (i32, i32) {
    %c0_i32 = arith.constant 0 : i32
    %c0_i32_0 = arith.constant 0 : i32
    return %arg0, %c0_i32 : i32, i32
  }
  func.func @transform_2(%arg0: i32) -> (i32, i32) {
    %c0_i32 = arith.constant 0 : i32
    %c0_i32_0 = arith.constant 0 : i32
    return %arg0, %c0_i32 : i32, i32
  }
  func.func @transform_3(%arg0: i32) -> (i32, i32) {
    %c0_i32 = arith.constant 0 : i32
    %c0_i32_0 = arith.constant 0 : i32
    return %arg0, %c0_i32 : i32, i32
  }
  func.func @transform_4(%arg0: i32) -> (i32, i32) {
    %c0_i32 = arith.constant 0 : i32
    %c0_i32_0 = arith.constant 0 : i32
    %c0_i32_1 = arith.constant 0 : i32
    return %c0_i32, %c0_i32_0 : i32, i32
  }
  func.func @transform_5(%arg0: i32) -> (i32, i32) {
    %c0_i32 = arith.constant 0 : i32
    %c0_i32_0 = arith.constant 0 : i32
    %c0_i32_1 = arith.constant 0 : i32
    return %c0_i32, %c0_i32_0 : i32, i32
  }
  func.func @transform_6(%arg0: i32) -> (i32, i32) {
    %c0_i32 = arith.constant 0 : i32
    %c0_i32_0 = arith.constant 0 : i32
    %c0_i32_1 = arith.constant 0 : i32
    return %c0_i32, %c0_i32_0 : i32, i32
  }
  func.func @transform_7(%arg0: i32) -> (i32, i32) {
    %c0_i32 = arith.constant 0 : i32
    %c0_i32_0 = arith.constant 0 : i32
    %c0_i32_1 = arith.constant 0 : i32
    return %c0_i32, %c0_i32_0 : i32, i32
  }
  func.func @transform_8(%arg0: i32) -> (i32, i32) {
    %c0_i32 = arith.constant 0 : i32
    %c0_i32_0 = arith.constant 0 : i32
    return %arg0, %c0_i32 : i32, i32
  }
}

</mosaic_0001>

<sc_bundles>
// kernel: sparse-core-data-format-call.1.cloned.1.call-start
scs
called_computation.1_lowered:
.L_overlay_start_0:
0x0: {  	s2 =	sld [smem:$0x3FD9]  }
0x1: {  	s3 =	sld [smem:$0x3FFE];
	_ =	sdelay $0x1  }
0x2: {  	s1 =	srdreg.scid  }
0x3: {  	s0 =	sand.u32 $0x1, s1  }
0x4: {  	s18 =	sshll.u32 s0, $0xA;
	s2 =	sadd.s32 s3, s2  }
0x5: {  	s2 =	sadd.s32 s2, s18  }
0x6: {  	[smem:$0x3FBF] =	sst s2  }
0x7: {  	_ = 	snop  }
0x8: {  	s2 =	sld [smem:$0x3FC8];
	(tm) =	ssettm $0x1  }
0x9: {  	s19 =	sld [smem:$0x3FFB];
	_ =	sdelay $0x3  }
0xa: {  	_ =	strace s19  }
0xb: {  	s3 =	sld [smem:$0x3FFC];
	_ =	sdelay $0x3  }
0xc: {  	_ =	strace s3  }
0xd: {  	s3 =	sld [smem:$0x3FFD];
	_ =	sdelay $0x3  }
0xe: {  	_ =	strace s3  }
0xf: {  	_ =	strace $0x8FFFFFFF  }
0x10: {  	s20 =	sld [smem:$0x3FDB];
	_ =	sdelay $0x1  }
0x11: {  	s4 =	simm.s32 $_scs_section_size  }
0x12: {  	s5 =	simm.s32 $_size__tile_overlayer_lowered;
	s6 =	simm.s32 $_tile_overlayer_lowered  }
0x13: {  	s23 =	simm.s32 $0x1BFF;
	s22 =	sshll.u32 s6, $0x1;
	s3 =	sadd.s32 s4, s20  }
0x14: {  	s7 =	simm.s32 $0x0;
	s21 =	sshll.u32 s5, $0x1;
	s5 =	sadd.s32 s22, s3  }
0x15: {  	[timem:s7], [sflag:s23] =	dma.local [hbm:s5], s21  }
0x16: {  	_ =	swait.ge [sflag:s23], s21  }
0x17: {  	s4 =	ssub.s32 $0x0, s21;
	[sflag:s23] =	ssyncset.done $0x0  }
0x18: {  	[sflag:s23] =	ssyncadd.s32 s4;
	_ =	sdelay $0x1  }
0x19: {  	s24 =	simm.s32 $0x1B8B  }
0x1a: {  	_ =	swait.ge [sflag:s24], $0x1  }
0x1b: {  	[sflag:s24] =	ssyncset.done $0x0  }
0x1c: {  	s26 =	simm.s32 $0x1B8E;
	s25 =	sld [smem:$0x3FFE];
	[sflag:s24] =	ssyncadd.s32 $0xFFFFFFFF  }
0x1d: {  	s27 =	simm.s32 $execute0_lowered;
	[smem:$0x3FD2] =	sst s26  }
0x1e: {  	s5 =	sshll.u32 s27, $0x1;
	_ =	strace $0x80000046;
	[dreg:$0x1] =	wrdreg $0xFFFFFFFF  }
0x1f: {  	s28 =	simm.s32 $_size_execute0_lowered;
	s3 =	sadd.s32 s3, s5;
	[dreg:$0x0] =	wrdreg $0x0  }
0x20: {  	s5 =	sshll.u32 s28, $0x1;
	[dreg:$0x2] =	wrdreg s3  }
0x21: {  	[dreg:$0x3] =	wrdreg s5  }
0x22: {  	[dreg:$0x4] =	wrdreg $0xC0  }
0x23: {  	_ =	task [dreg:s7], $0x5FFFF  }
0x24: {  	[dreg:$0x1] =	wrdreg $0xFFFFFFFF  }
0x25: {  	[dreg:$0x0] =	wrdreg $0x60  }
0x26: {  	[dreg:$0x2] =	wrdreg s2  }
0x27: {  	[dreg:$0x3] =	wrdreg s25  }
0x28: {  	[dreg:$0x4] =	wrdreg $0xA  }
0x29: {  	_ =	task.clear_ibuf [dreg:s7], $0x5FFFF;
	_ =	strace $0x90000046  }
0x2a: {  	s29 =	simm.s32 $0xA;
	_ =	strace $0x80000048  }
0x2b: {  	_ =	swait.ge [sflag:s29], $0x1  }
0x2c: {  	[sflag:s29] =	ssyncadd.s32 $0xFFFFFFFF  }
0x2d: {  	_ =	strace $0x90000048  }
0x2e: {  	_ =	sfence  }
0x2f: {  	s30 =	sld [smem:$0x0];
	_ =	sdelay $0x2  }
0x30: {  	s31 =	sshll.u32 s1, $0xD;
	s1 =	sshrl.u32 s1, $0x2  }
0x31: {  	s3 =	sand.u32 $0x4000, s31;
	s1 =	sadd.s32 s1, s30  }
0x32: {  	s0 =	sor.u32 s3, s0;
	s1 =	sshll.u32 s1, $0x11  }
0x33: {  	s0 =	sor.u32 s1, s0  }
0x34: {  	s0 =	sadd.s32 $0x8F2B, s0  }
0x35: {  	[sflag:s0] =	ssyncadd.remote.s32 $0x1  }
0x36: {  	_ =	sfence.sel $0xFFFF  }
0x37: {  	[dreg:$0x0] =	wrdreg $0xFFFFFFFF;
	(pc) =	sbr.abs _section_cstart, $3  }
0x38: {  	[dreg:$0x1] =	wrdreg $0xFFFFFFFF  }
0x39: {  	_ =	task.clear_ibuf [dreg:s7], $0x2FFFF;
	_ =	strace $0x9FFFFFFF  }
0x3a: {  	(tm) =	ssettm $0x7FFFFFFF  }
0x3b: {  	_ =	shalt  }
tec
execute0_lowered:
.L_overlay_start_1:
0x0: {  	(tag) =	ssettag $0x1  }
0x1: {  	s0 =	srdreg.scid;
	s6 =	rddreg [dreg:$0x0]  }
0x2: {  	s3 =	rddreg [dreg:$0x1];
	s1 =	stileid.u32;
	s31 =	simm.s32 $0x2  }
0x3: {  	s9 =	simm.s32 $0x0;
	s13 =	simm.s32 $0x0;
	s0 =	sshll.u32 s0, $0x3  }
0x4: {  	s12 =	simm.s32 $0x0;
	s10 =	stileid.u32;
	s2 =	sand.u32 $0x8, s0  }
0x5: {  	s11 =	simm.s32 $0x0;
	s19 =	simm.s32 $0x0;
	s4 =	ssub.s32 $0x10, s2  }
0x6: {  	s7 =	ssub.s32 $0x4F1, s1;
	s0 =	rddreg [dreg:$0x2];
	s5 =	sshrl.u32 s4, $0x3  }
.Ltmp0:
0x7: {  	s4 =	sshrl.u32 s4, $0x4;
	s5 =	sand.u32 $0x1, s5;
	(pc) =	sbr.rel .LBB1_1-.Ltmp0, $4  }
0x8: {  	_ =	strace $0x80000047;
	s7 =	sshrl.u32 s7, $0x4;
	s5 =	sadd.s32 s4, s5  }
0x9: {  	s8 =	sshll.u32 s2, $0x5;
	s4 =	simm.s32 $0x1;
	s5 =	smul.u32 s7, s5  }
0xa: {  	s3 =	sadd.s32 $0x1600, s3;
	s6 =	sadd.s32 s6, s8;
	[sflag:s4] =	ssyncpa.u1 $0x0  }
0xb: {  	s8 =	simm.s32 $0x0;
	[sflag:s31] =	ssyncpa.u1 $0x0;
	s7 =	sadd.s32 $0x1, s5  }
.LBB1_7:
0xc: {  	s14 =	sadd.s32 $0x10, s10  }
0xd: {  	p1 =	sgt.s32 s14, $0x4E1  }
0xe: {  	s14 =	smov.u32 @p1 s1;
	p1 =	sne.s32 s11, s7  }
.Ltmp1:
0xf: {  	p0 =	slt.u32 s11, $0x2;
	(pc) =	sbr.rel @!p1 .LBB1_8-.Ltmp1, $4  }
0x10: {  	s13 =	simm.s32 @!p0 $0x2  }
0x11: {  	s15 =	sadd.s32 $0x1, s11;
	s12 =	smov.u32 s10;
	_ =	swait.ge @!p0 [sflag:s13], $0x4000  }
0x12: {  	s9 =	sadd.s32 $0x4000, s9;
	s11 =	smov.u32 s15;
	[sflag:s13] =	ssyncset.done @!p0 $0x0  }
0x13: {  	s10 =	smov.u32 s14;
	[sflag:s13] =	ssyncadd.s32 @!p0 $0xFFFFC000;
	s13 =	smov.u32 s2  }
.LBB1_1:
0x14: {  	p0 =	sge.u32 s11, s5  }
0x15: {  	s31 =	sadd.s32 $0xFFFFFFFF, s11;
	s14 =	sxor.u32 @!p0 $0xFFFFFFFF, s11  }
0x16: {  	s15 =	sshll.u32 @!p0 s10, $0xC;
	s16 =	simm.s32 @!p0 $0x800;
	s14 =	sshll.u32 @!p0 s14, $0xE  }
0x17: {  	s17 =	simm.s32 @!p0 $0x1000;
	s15 =	sadd.s32 @!p0 s15, s6;
	s14 =	sand.u32 @!p0 $0x4000, s14  }
0x18: {  	[tilespmem:s14], [sflag:$0x1] =	stream.strided.gather @!p0 [hbm4b:s15+s16], $0x4000, s17, s16, $0x38;
	[tilespmem:$0x10000] =	vst v63  }
0x19: {  	p0 =	sge.u32 s31, s5  }
.Ltmp2:
0x1a: {  	_ = 	snop;
	(pc) =	sbr.rel @p0 .LBB1_7-.Ltmp2, $1  }
0x1b: {  	_ =	sdelay $0x3  }
0x1c: {  	s14 =	sshll.u32 s9, $0x2;
	_ =	swait.ge [sflag:s4], $0x4000;
	s15 =	sshll.u32 s11, $0xE  }
0x1d: {  	p0 =	por $0x0, $0x0;
	s20 =	simm.s32 $0x0;
	s21 =	simm.s32 $0x0  }
0x1e: {  	s14 =	sand.u32 $0x10000, s14;
	[sflag:s4] =	ssyncset.done $0x0;
	s17 =	sand.u32 $0x4000, s15  }
0x1f: {  	s18 =	sshrl.u32 s14, $0x2;
	[sflag:s4] =	ssyncadd.s32 $0xFFFFC000;
	s15 =	sor.u32 $0x8000, s17  }
0x20: {  	s14 =	sor.u32 $0x40, s18;
	s16 =	sor.u32 $0x8410, s18;
	s18 =	sadd.s32 $0x8400, s18  }
.LBB1_3:
0x21: {  	v1 =	vld [tilespmem:s14+$0xFFFFFFD0]  }
0x22: {  	v2 =	vld [tilespmem:s14+$0x430]  }
0x23: {  	s22 =	sshll.u32 s21, $0xB;
	v4 =	vld [tilespmem:s14+$0xFFFFFFE0]  }
0x24: {  	v7 =	vld [tilespmem:s14+$0xFFFFFFF0];
	v0 =	vmov s22  }
0x25: {  	v8 =	vld [tilespmem:s14+$0x0]  }
0x26: {  	s30 =	sand.u32 $0x300, s19;
	v9 =	vld [tilespmem:s14+$0x10]  }
0x27: {  	s23 =	sand.u32 $0x80, s19;
	v10 =	vld [tilespmem:s14+$0x20];
	s22 =	sadd.s32 s30, s17  }
0x28: {  	v11 =	vld [tilespmem:s14+$0x30];
	s22 =	sadd.s32 s23, s22;
	s23 =	simm.s32 $0x1;
	[tilespmem:s16+$0x60] =	vst v2  }
0x29: {  	s31 =	sshll.u32 s20, $0x2;
	s23 =	simm.s32 @!p0 $0x0;
	[tilespmem:s16+$0xFFFFFC00] =	vst v1;
	v3 =	vld.idx.msk [tilespmem:v0+s22+$0x400 ss:$0x1], $0xffff  }
0x2a: {  	v6 =	vld [tilespmem:s14+$0x3D0];
	s23 =	sshll.u32 s23, $0x9;
	[tilespmem:s16+$0xFFFFFC10] =	vst v4;
	s22 =	sand.u32 $0xFFFFFC00, s31  }
0x2b: {  	v5 =	vld [tilespmem:s14+$0x3E0];
	[tilespmem:s16+$0xFFFFFC20] =	vst v7;
	s22 =	sor.u32 s23, s22  }
0x2c: {  	[tilespmem:s16+$0xFFFFFC30] =	vst v8;
	v4 =	vld [tilespmem:s14+$0x400];
	s22 =	sshrl.u32 s22, $0x2  }
0x2d: {  	[tilespmem:s16+$0xFFFFFC40] =	vst v9;
	v1 =	vld [tilespmem:s14+$0x410];
	s22 =	sadd.s32 s22, s18  }
0x2e: {  	[tilespmem:s22+$0x0] =	vst v3;
	v3 =	vld [tilespmem:s14+$0x3F0]  }
0x2f: {  	s26 =	simm.s32 $0x80;
	s25 =	simm.s32 $0x100;
	[tilespmem:s16+$0xFFFFFC50] =	vst v10;
	v2 =	vld [tilespmem:s14+$0x420]  }
0x30: {  	s24 =	smov.u32 s16;
	s27 =	sand.u32 $0x300, s26;
	v7 =	vld [tilespmem:s14+$0xFFFFFFC0];
	[tilespmem:s16+$0xFFFFFC60] =	vst v11;
	s23 =	sadd.s32 $0x80, s14  }
.LBB1_4:
0x31: {  	p1 =	sne.s32 s25, $0x380;
	v8 =	vld [tilespmem:s23+$0xFFFFFFD0];
	s26 =	sand.u32 $0x80, s26;
	s27 =	sadd.s32 s27, s17;
	[tilespmem:s24+$0x0] =	vst v6  }
0x32: {  	s27 =	sadd.s32 s26, s27;
	v6 =	vld [tilespmem:s23+$0x430];
	[tilespmem:s24+$0x10] =	vst v5;
	s26 =	smov.u32 s25  }
0x33: {  	v5 =	vld.idx.msk [tilespmem:v0+s27+$0x400 ss:$0x1], $0xffff;
	[tilespmem:s24+$0x20] =	vst v3  }
0x34: {  	v3 =	vld [tilespmem:s23+$0xFFFFFFE0];
	[tilespmem:s24+$0x30] =	vst v4  }
0x35: {  	v4 =	vld [tilespmem:s23+$0xFFFFFFF0];
	[tilespmem:s24+$0xFFFFFBF0] =	vst v7  }
0x36: {  	v7 =	vld [tilespmem:s23+$0x0];
	[tilespmem:s24+$0x40] =	vst v1  }
0x37: {  	v1 =	vld [tilespmem:s23+$0x10];
	[tilespmem:s24+$0x50] =	vst v2;
	s24 =	sadd.s32 $0x800, s24  }
0x38: {  	s22 =	sadd.s32 $0x800, s22;
	v2 =	vld [tilespmem:s23+$0x20];
	[tilespmem:s24+$0x60] =	vst v6  }
0x39: {  	v9 =	vld [tilespmem:s23+$0x30];
	[tilespmem:s22+$0x0] =	vst v5  }
0x3a: {  	[tilespmem:s24+$0xFFFFFC00] =	vst v8;
	v6 =	vld [tilespmem:s23+$0x3D0]  }
0x3b: {  	[tilespmem:s24+$0xFFFFFC10] =	vst v3;
	v5 =	vld [tilespmem:s23+$0x3E0]  }
.Ltmp3:
0x3c: {  	[tilespmem:s24+$0xFFFFFC20] =	vst v4;
	v3 =	vld [tilespmem:s23+$0x3F0];
	(pc) =	sbr.rel @p1 .LBB1_4-.Ltmp3, $4  }
0x3d: {  	[tilespmem:s24+$0xFFFFFC30] =	vst v7;
	v4 =	vld [tilespmem:s23+$0x400]  }
0x3e: {  	[tilespmem:s24+$0xFFFFFC40] =	vst v1;
	v1 =	vld [tilespmem:s23+$0x410]  }
0x3f: {  	[tilespmem:s24+$0xFFFFFC50] =	vst v2;
	v2 =	vld [tilespmem:s23+$0x420]  }
0x40: {  	s25 =	sadd.s32 $0x80, s25;
	s27 =	sand.u32 $0x300, s26;
	v7 =	vld [tilespmem:s23+$0xFFFFFFC0];
	[tilespmem:s24+$0xFFFFFC60] =	vst v9;
	s23 =	sadd.s32 $0x80, s23  }
0x41: {  	[tilespmem:s24+$0x0] =	vst v6  }
0x42: {  	[tilespmem:s24+$0x10] =	vst v5  }
0x43: {  	v49 =	vld [tilespmem:s23+$0x430];
	[tilespmem:s24+$0x20] =	vst v3  }
0x44: {  	v50 =	vld [tilespmem:s23+$0xFFFFFFD0];
	[tilespmem:s24+$0x30] =	vst v4  }
0x45: {  	v51 =	vld [tilespmem:s23+$0xFFFFFFE0];
	[tilespmem:s24+$0x40] =	vst v1  }
0x46: {  	v52 =	vld [tilespmem:s23+$0xFFFFFFF0];
	[tilespmem:s24+$0x50] =	vst v2  }
0x47: {  	s31 =	sadd.s32 $0x800, s24;
	v53 =	vld [tilespmem:s23+$0x0];
	[tilespmem:s24+$0xFFFFFBF0] =	vst v7  }
0x48: {  	v54 =	vld [tilespmem:s23+$0x10];
	[tilespmem:s31+$0x60] =	vst v49  }
0x49: {  	v55 =	vld [tilespmem:s23+$0x20];
	[tilespmem:s31+$0xFFFFFC00] =	vst v50  }
0x4a: {  	v56 =	vld [tilespmem:s23+$0x30];
	[tilespmem:s31+$0xFFFFFC10] =	vst v51  }
0x4b: {  	v57 =	vld [tilespmem:s23+$0x3D0];
	[tilespmem:s31+$0xFFFFFC20] =	vst v52  }
0x4c: {  	v58 =	vld [tilespmem:s23+$0x3E0];
	[tilespmem:s31+$0xFFFFFC30] =	vst v53  }
0x4d: {  	v59 =	vld [tilespmem:s23+$0x3F0];
	[tilespmem:s31+$0xFFFFFC40] =	vst v54  }
0x4e: {  	v60 =	vld [tilespmem:s23+$0x400];
	[tilespmem:s31+$0xFFFFFC50] =	vst v55  }
0x4f: {  	v61 =	vld [tilespmem:s23+$0xFFFFFFC0];
	[tilespmem:s31+$0xFFFFFC60] =	vst v56  }
0x50: {  	s25 =	sand.u32 $0x80, s26;
	s30 =	sadd.s32 s27, s17;
	v62 =	vld [tilespmem:s23+$0x410];
	[tilespmem:s31+$0x0] =	vst v57  }
0x51: {  	v63 =	vld [tilespmem:s23+$0x420];
	s21 =	sadd.s32 $0x1, s21;
	s25 =	sadd.s32 s25, s30;
	[tilespmem:s31+$0x10] =	vst v58  }
0x52: {  	p1 =	sne.s32 s21, $0x8;
	v0 =	vld.idx.msk [tilespmem:v0+s25+$0x400 ss:$0x1], $0xffff;
	[tilespmem:s31+$0x20] =	vst v59  }
.Ltmp4:
0x53: {  	[tilespmem:s31+$0x30] =	vst v60;
	(pc) =	sbr.rel @p1 .LBB1_3-.Ltmp4, $4  }
0x54: {  	[tilespmem:s31+$0xFFFFFBF0] =	vst v61  }
0x55: {  	[tilespmem:s31+$0x40] =	vst v62  }
0x56: {  	s22 =	sadd.s32 $0x800, s22;
	s14 =	sadd.s32 $0x800, s14;
	[tilespmem:s31+$0x50] =	vst v63  }
0x57: {  	s20 =	sadd.s32 $0x80, s20;
	p0 =	por !p0, !p0;
	s16 =	sadd.s32 $0x80, s16;
	[tilespmem:s22+$0x0] =	vst v0  }
.Ltmp5:
0x58: {  	(pc) =	sbr.rel .LBB1_7-.Ltmp5, $4  }
0x59: {  	s12 =	sshll.u32 s12, $0xC  }
0x5a: {  	s13 =	sshll.u32 s13, $0x8;
	s12 =	sadd.s32 s3, s12  }
0x5b: {  	s12 =	sadd.s32 s13, s12  }
0x5c: {  	[hbm4b:s12+s8] =	stream.linear.scatter [tilespmem:s15], [sflag:$0x2], $0x4000, $0x38;
	[tilespmem:$0x10000] =	vst v63  }
.LBB1_8:
0x5d: {  	_ =	sfence.sel $0x180000  }
0x5e: {  	s2 =	simm.s32 $0x1;
	[bflag:$0x0] =	sbarrier.arrive $0xFFFF  }
0x5f: {  	s31 =	simm.s32 $0x2;
	[sflag:s2] =	ssyncpa.u1 $0x1  }
0x60: {  	[sflag:s31] =	ssyncpa.u1 $0x1  }
0x61: {  	p0 =	sne.s32 s1, $0x0;
	_ =	strace $0x90000047  }
0x62: {  	s0 =	sadd.s32 @!p0 $0x100000, s0;
	[bflag:$0x2] =	sbarrier.arrive $0xFFFF  }
0x63: {  	[sflag:s0] =	ssyncadd.tile.s32 @!p0 $0x1;
	_ =	shalt  }
.Lfunc_end1:
_tile_overlayer_lowered:
.L_overlay_start_2:
0x64: {  	(tag) =	ssettag $0x2  }
0x65: {  	s0 =	rddreg [dreg:$0x0];
	s2 =	stileid.u32  }
0x66: {  	s1 =	rddreg [dreg:$0x1];
	p0 =	sne.s32 s2, $0x0  }
0x67: {  	s3 =	rddreg [dreg:$0x2];
	[bflag:$0x3] =	sbarrier.arrive $0xFFFF;
	s2 =	simm.s32 @!p0 $0x1C01  }
0x68: {  	[timem:s3], [sflag:s2] =	dma.local @!p0 [hbm:s0], s1  }
0x69: {  	s0 =	simm.s32 @!p0 $0x1  }
0x6a: {  	_ =	swait.ge @!p0 [sflag:s0], s1  }
0x6b: {  	s1 =	ssub.s32 @!p0 $0x0, s1;
	[sflag:s0] =	ssyncset.done @!p0 $0x0  }
0x6c: {  	[sflag:s0] =	ssyncadd.s32 @!p0 s1  }
0x6d: {  	[bflag:$0x3] =	sbarrier.arrive $0xFFFF  }
0x6e: {  	_ =	shalt  }

// kernel: sparse-core-data-format-call.cloned.1.call-start
scs
called_computation_lowered:
.L_overlay_start_0:
0x0: {  	s2 =	sld [smem:$0x3FD9]  }
0x1: {  	s3 =	sld [smem:$0x3FFE];
	_ =	sdelay $0x1  }
0x2: {  	s1 =	srdreg.scid  }
0x3: {  	s0 =	sand.u32 $0x1, s1  }
0x4: {  	s18 =	sshll.u32 s0, $0xA;
	s2 =	sadd.s32 s3, s2  }
0x5: {  	s2 =	sadd.s32 s2, s18  }
0x6: {  	[smem:$0x3FBF] =	sst s2  }
0x7: {  	_ = 	snop  }
0x8: {  	s19 =	sld [smem:$0x3FC7];
	(tm) =	ssettm $0x1  }
0x9: {  	s20 =	sld [smem:$0x3FFB];
	_ =	sdelay $0x3  }
0xa: {  	_ =	strace s20  }
0xb: {  	s2 =	sld [smem:$0x3FFC];
	_ =	sdelay $0x3  }
0xc: {  	_ =	strace s2  }
0xd: {  	s2 =	sld [smem:$0x3FFD];
	_ =	sdelay $0x3  }
0xe: {  	_ =	strace s2  }
0xf: {  	_ =	strace $0x8FFFFFFF  }
0x10: {  	s21 =	sld [smem:$0x3FDB];
	_ =	sdelay $0x1  }
0x11: {  	s4 =	simm.s32 $_scs_section_size  }
0x12: {  	s5 =	simm.s32 $_size__tile_overlayer_lowered;
	s6 =	simm.s32 $_tile_overlayer_lowered  }
0x13: {  	s7 =	simm.s32 $0x1BFF;
	s22 =	sshll.u32 s6, $0x1;
	s4 =	sadd.s32 s4, s21  }
0x14: {  	s23 =	simm.s32 $0x0;
	s5 =	sshll.u32 s5, $0x1;
	s6 =	sadd.s32 s22, s4  }
0x15: {  	[timem:s23], [sflag:s7] =	dma.local [hbm:s6], s5  }
0x16: {  	_ =	swait.ge [sflag:s7], s5  }
0x17: {  	s5 =	ssub.s32 $0x0, s5;
	[sflag:s7] =	ssyncset.done $0x0  }
0x18: {  	[sflag:s7] =	ssyncadd.s32 s5;
	_ =	sdelay $0x1  }
0x19: {  	s24 =	simm.s32 $0x1B8B  }
0x1a: {  	_ =	swait.ge [sflag:s24], $0x1  }
0x1b: {  	[sflag:s24] =	ssyncset.done $0x0  }
0x1c: {  	[sflag:s24] =	ssyncadd.s32 $0xFFFFFFFF  }
0x1d: {  	s5 =	sld [smem:$0x0]  }
0x1e: {  	s6 =	sand.u32 $0xFFFFFFFE, s1  }
0x1f: {  	p0 =	sne.s32 s1, s6  }
0x20: {  	s6 =	sshll.u32 @p0 s6, $0xE  }
0x21: {  	s6 =	sadd.s32 @p0 $0x11B8D, s6;
	s7 =	sshll.u32 @p0 s5, $0x11  }
0x22: {  	s6 =	sor.u32 @p0 s7, s6  }
0x23: {  	[sflag:s6] =	ssyncadd.remote.s32 @p0 $0x1;
	_ =	sdelay $0x1  }
0x24: {  	s6 =	simm.s32 @p0 $0x1B8D  }
0x25: {  	_ =	swait.eq @p0 [sflag:s6], $0x1  }
0x26: {  	[sflag:s6] =	ssyncadd.s32 @p0 $0xFFFFFFFF  }
0x27: {  	s7 =	sshll.u32 @!p0 s1, $0xE  }
0x28: {  	s7 =	sor.u32 @!p0 $0x4000, s7;
	s6 =	simm.s32 @!p0 $0x1B8D  }
0x29: {  	s5 =	sshll.u32 @!p0 s5, $0x11;
	s7 =	sadd.s32 @!p0 $0x11B8D, s7;
	_ =	swait.eq @!p0 [sflag:s6], $0x1  }
0x2a: {  	s5 =	sor.u32 @!p0 s5, s7;
	[sflag:s6] =	ssyncadd.s32 @!p0 $0xFFFFFFFF  }
0x2b: {  	s26 =	simm.s32 $0x1B8E;
	s25 =	sld [smem:$0x3FFE];
	[sflag:s5] =	ssyncadd.remote.s32 @!p0 $0x1  }
0x2c: {  	s27 =	simm.s32 $execute0_lowered;
	[smem:$0x3FD2] =	sst s26  }
0x2d: {  	s6 =	sshll.u32 s27, $0x1;
	_ =	strace $0x80000049;
	[dreg:$0x1] =	wrdreg $0xFFFFFFFF  }
0x2e: {  	s28 =	simm.s32 $_size_execute0_lowered;
	s4 =	sadd.s32 s4, s6;
	[dreg:$0x0] =	wrdreg $0x0  }
0x2f: {  	s6 =	sshll.u32 s28, $0x1;
	[dreg:$0x2] =	wrdreg s4  }
0x30: {  	[dreg:$0x3] =	wrdreg s6  }
0x31: {  	[dreg:$0x4] =	wrdreg $0xC0  }
0x32: {  	_ =	task [dreg:s23], $0x5FFFF  }
0x33: {  	[dreg:$0x1] =	wrdreg $0xFFFFFFFF  }
0x34: {  	[dreg:$0x0] =	wrdreg $0x60  }
0x35: {  	[dreg:$0x2] =	wrdreg s19  }
0x36: {  	[dreg:$0x3] =	wrdreg s25  }
0x37: {  	[dreg:$0x4] =	wrdreg $0x9  }
0x38: {  	_ =	task.clear_ibuf [dreg:s23], $0x5FFFF;
	_ =	strace $0x90000049  }
0x39: {  	s29 =	simm.s32 $0x9;
	_ =	strace $0x8000004B  }
0x3a: {  	_ =	swait.ge [sflag:s29], $0x1  }
0x3b: {  	[sflag:s29] =	ssyncadd.s32 $0xFFFFFFFF  }
0x3c: {  	_ =	strace $0x9000004B  }
0x3d: {  	_ =	sfence  }
0x3e: {  	s30 =	sld [smem:$0x0];
	_ =	sdelay $0x2  }
0x3f: {  	s31 =	sshll.u32 s1, $0xD;
	s1 =	sshrl.u32 s1, $0x2  }
0x40: {  	s4 =	sand.u32 $0x4000, s31;
	s1 =	sadd.s32 s1, s30  }
0x41: {  	s0 =	sor.u32 s4, s0;
	s1 =	sshll.u32 s1, $0x11  }
0x42: {  	s0 =	sor.u32 s1, s0  }
0x43: {  	s0 =	sadd.s32 $0x8F2B, s0  }
0x44: {  	[sflag:s0] =	ssyncadd.remote.s32 $0x1  }
0x45: {  	_ =	sfence.sel $0xFFFF  }
0x46: {  	[dreg:$0x0] =	wrdreg $0xFFFFFFFF;
	(pc) =	sbr.abs _section_cstart, $3  }
0x47: {  	[dreg:$0x1] =	wrdreg $0xFFFFFFFF  }
0x48: {  	_ =	task.clear_ibuf [dreg:s23], $0x2FFFF;
	_ =	strace $0x9FFFFFFF  }
0x49: {  	(tm) =	ssettm $0x7FFFFFFF  }
tec
execute0_lowered:
.L_overlay_start_1:
0x0: {  	(tag) =	ssettag $0x1  }
0x1: {  	s0 =	srdreg.scid;
	s6 =	rddreg [dreg:$0x0]  }
0x2: {  	s3 =	rddreg [dreg:$0x1];
	s1 =	stileid.u32;
	s31 =	simm.s32 $0x2  }
0x3: {  	s9 =	simm.s32 $0x0;
	s13 =	simm.s32 $0x0;
	s0 =	sshll.u32 s0, $0x3  }
0x4: {  	s12 =	simm.s32 $0x0;
	s10 =	stileid.u32;
	s2 =	sand.u32 $0x8, s0  }
0x5: {  	s11 =	simm.s32 $0x0;
	s19 =	simm.s32 $0x0;
	s4 =	ssub.s32 $0x10, s2  }
0x6: {  	s7 =	ssub.s32 $0x4F1, s1;
	s0 =	rddreg [dreg:$0x2];
	s5 =	sshrl.u32 s4, $0x3  }
.Ltmp0:
0x7: {  	s4 =	sshrl.u32 s4, $0x4;
	s5 =	sand.u32 $0x1, s5;
	(pc) =	sbr.rel .LBB1_1-.Ltmp0, $4  }
0x8: {  	_ =	strace $0x8000004A;
	s7 =	sshrl.u32 s7, $0x4;
	s5 =	sadd.s32 s4, s5  }
0x9: {  	s8 =	sshll.u32 s2, $0x5;
	s4 =	simm.s32 $0x1;
	s5 =	smul.u32 s7, s5  }
0xa: {  	s3 =	sadd.s32 $0x4E3600, s3;
	s6 =	sadd.s32 s6, s8;
	[sflag:s4] =	ssyncpa.u1 $0x0  }
0xb: {  	s8 =	simm.s32 $0x0;
	[sflag:s31] =	ssyncpa.u1 $0x0;
	s7 =	sadd.s32 $0x1, s5  }
.LBB1_7:
0xc: {  	s14 =	sadd.s32 $0x10, s10  }
0xd: {  	p1 =	sgt.s32 s14, $0x4E1  }
0xe: {  	s14 =	smov.u32 @p1 s1;
	p1 =	sne.s32 s11, s7  }
.Ltmp1:
0xf: {  	p0 =	slt.u32 s11, $0x2;
	(pc) =	sbr.rel @!p1 .LBB1_8-.Ltmp1, $4  }
0x10: {  	s13 =	simm.s32 @!p0 $0x2  }
0x11: {  	s15 =	sadd.s32 $0x1, s11;
	s12 =	smov.u32 s10;
	_ =	swait.ge @!p0 [sflag:s13], $0x4000  }
0x12: {  	s9 =	sadd.s32 $0x4000, s9;
	s11 =	smov.u32 s15;
	[sflag:s13] =	ssyncset.done @!p0 $0x0  }
0x13: {  	s10 =	smov.u32 s14;
	[sflag:s13] =	ssyncadd.s32 @!p0 $0xFFFFC000;
	s13 =	smov.u32 s2  }
.LBB1_1:
0x14: {  	p0 =	sge.u32 s11, s5  }
0x15: {  	s31 =	sadd.s32 $0xFFFFFFFF, s11;
	s14 =	sxor.u32 @!p0 $0xFFFFFFFF, s11  }
0x16: {  	s15 =	sshll.u32 @!p0 s10, $0xC;
	s16 =	simm.s32 @!p0 $0x800;
	s14 =	sshll.u32 @!p0 s14, $0xE  }
0x17: {  	s17 =	simm.s32 @!p0 $0x1000;
	s15 =	sadd.s32 @!p0 s15, s6;
	s14 =	sand.u32 @!p0 $0x4000, s14  }
0x18: {  	[tilespmem:s14], [sflag:$0x1] =	stream.strided.gather @!p0 [hbm4b:s15+s16], $0x4000, s17, s16, $0x38;
	[tilespmem:$0x10000] =	vst v63  }
0x19: {  	p0 =	sge.u32 s31, s5  }
.Ltmp2:
0x1a: {  	_ = 	snop;
	(pc) =	sbr.rel @p0 .LBB1_7-.Ltmp2, $1  }
0x1b: {  	_ =	sdelay $0x3  }
0x1c: {  	s14 =	sshll.u32 s9, $0x2;
	_ =	swait.ge [sflag:s4], $0x4000;
	s15 =	sshll.u32 s11, $0xE  }
0x1d: {  	p0 =	por $0x0, $0x0;
	s20 =	simm.s32 $0x0;
	s21 =	simm.s32 $0x0  }
0x1e: {  	s14 =	sand.u32 $0x10000, s14;
	[sflag:s4] =	ssyncset.done $0x0;
	s17 =	sand.u32 $0x4000, s15  }
0x1f: {  	s18 =	sshrl.u32 s14, $0x2;
	[sflag:s4] =	ssyncadd.s32 $0xFFFFC000;
	s15 =	sor.u32 $0x8000, s17  }
0x20: {  	s14 =	sor.u32 $0x40, s18;
	s16 =	sor.u32 $0x8410, s18;
	s18 =	sadd.s32 $0x8400, s18  }
.LBB1_3:
0x21: {  	v1 =	vld [tilespmem:s14+$0xFFFFFFD0]  }
0x22: {  	v2 =	vld [tilespmem:s14+$0x430]  }
0x23: {  	s22 =	sshll.u32 s21, $0xB;
	v4 =	vld [tilespmem:s14+$0xFFFFFFE0]  }
0x24: {  	v7 =	vld [tilespmem:s14+$0xFFFFFFF0];
	v0 =	vmov s22  }
0x25: {  	v8 =	vld [tilespmem:s14+$0x0]  }
0x26: {  	s30 =	sand.u32 $0x300, s19;
	v9 =	vld [tilespmem:s14+$0x10]  }
0x27: {  	s23 =	sand.u32 $0x80, s19;
	v10 =	vld [tilespmem:s14+$0x20];
	s22 =	sadd.s32 s30, s17  }
0x28: {  	v11 =	vld [tilespmem:s14+$0x30];
	s22 =	sadd.s32 s23, s22;
	s23 =	simm.s32 $0x1;
	[tilespmem:s16+$0x60] =	vst v2  }
0x29: {  	s31 =	sshll.u32 s20, $0x2;
	s23 =	simm.s32 @!p0 $0x0;
	[tilespmem:s16+$0xFFFFFC00] =	vst v1;
	v3 =	vld.idx.msk [tilespmem:v0+s22+$0x400 ss:$0x1], $0xffff  }
0x2a: {  	v6 =	vld [tilespmem:s14+$0x3D0];
	s23 =	sshll.u32 s23, $0x9;
	[tilespmem:s16+$0xFFFFFC10] =	vst v4;
	s22 =	sand.u32 $0xFFFFFC00, s31  }
0x2b: {  	v5 =	vld [tilespmem:s14+$0x3E0];
	[tilespmem:s16+$0xFFFFFC20] =	vst v7;
	s22 =	sor.u32 s23, s22  }
0x2c: {  	[tilespmem:s16+$0xFFFFFC30] =	vst v8;
	v4 =	vld [tilespmem:s14+$0x400];
	s22 =	sshrl.u32 s22, $0x2  }
0x2d: {  	[tilespmem:s16+$0xFFFFFC40] =	vst v9;
	v1 =	vld [tilespmem:s14+$0x410];
	s22 =	sadd.s32 s22, s18  }
0x2e: {  	[tilespmem:s22+$0x0] =	vst v3;
	v3 =	vld [tilespmem:s14+$0x3F0]  }
0x2f: {  	s26 =	simm.s32 $0x80;
	s25 =	simm.s32 $0x100;
	[tilespmem:s16+$0xFFFFFC50] =	vst v10;
	v2 =	vld [tilespmem:s14+$0x420]  }
0x30: {  	s24 =	smov.u32 s16;
	s27 =	sand.u32 $0x300, s26;
	v7 =	vld [tilespmem:s14+$0xFFFFFFC0];
	[tilespmem:s16+$0xFFFFFC60] =	vst v11;
	s23 =	sadd.s32 $0x80, s14  }
.LBB1_4:
0x31: {  	p1 =	sne.s32 s25, $0x380;
	v8 =	vld [tilespmem:s23+$0xFFFFFFD0];
	s26 =	sand.u32 $0x80, s26;
	s27 =	sadd.s32 s27, s17;
	[tilespmem:s24+$0x0] =	vst v6  }
0x32: {  	s27 =	sadd.s32 s26, s27;
	v6 =	vld [tilespmem:s23+$0x430];
	[tilespmem:s24+$0x10] =	vst v5;
	s26 =	smov.u32 s25  }
0x33: {  	v5 =	vld.idx.msk [tilespmem:v0+s27+$0x400 ss:$0x1], $0xffff;
	[tilespmem:s24+$0x20] =	vst v3  }
0x34: {  	v3 =	vld [tilespmem:s23+$0xFFFFFFE0];
	[tilespmem:s24+$0x30] =	vst v4  }
0x35: {  	v4 =	vld [tilespmem:s23+$0xFFFFFFF0];
	[tilespmem:s24+$0xFFFFFBF0] =	vst v7  }
0x36: {  	v7 =	vld [tilespmem:s23+$0x0];
	[tilespmem:s24+$0x40] =	vst v1  }
0x37: {  	v1 =	vld [tilespmem:s23+$0x10];
	[tilespmem:s24+$0x50] =	vst v2;
	s24 =	sadd.s32 $0x800, s24  }
0x38: {  	s22 =	sadd.s32 $0x800, s22;
	v2 =	vld [tilespmem:s23+$0x20];
	[tilespmem:s24+$0x60] =	vst v6  }
0x39: {  	v9 =	vld [tilespmem:s23+$0x30];
	[tilespmem:s22+$0x0] =	vst v5  }
0x3a: {  	[tilespmem:s24+$0xFFFFFC00] =	vst v8;
	v6 =	vld [tilespmem:s23+$0x3D0]  }
0x3b: {  	[tilespmem:s24+$0xFFFFFC10] =	vst v3;
	v5 =	vld [tilespmem:s23+$0x3E0]  }
.Ltmp3:
0x3c: {  	[tilespmem:s24+$0xFFFFFC20] =	vst v4;
	v3 =	vld [tilespmem:s23+$0x3F0];
	(pc) =	sbr.rel @p1 .LBB1_4-.Ltmp3, $4  }
0x3d: {  	[tilespmem:s24+$0xFFFFFC30] =	vst v7;
	v4 =	vld [tilespmem:s23+$0x400]  }
0x3e: {  	[tilespmem:s24+$0xFFFFFC40] =	vst v1;
	v1 =	vld [tilespmem:s23+$0x410]  }
0x3f: {  	[tilespmem:s24+$0xFFFFFC50] =	vst v2;
	v2 =	vld [tilespmem:s23+$0x420]  }
0x40: {  	s25 =	sadd.s32 $0x80, s25;
	s27 =	sand.u32 $0x300, s26;
	v7 =	vld [tilespmem:s23+$0xFFFFFFC0];
	[tilespmem:s24+$0xFFFFFC60] =	vst v9;
	s23 =	sadd.s32 $0x80, s23  }
0x41: {  	[tilespmem:s24+$0x0] =	vst v6  }
0x42: {  	[tilespmem:s24+$0x10] =	vst v5  }
0x43: {  	v49 =	vld [tilespmem:s23+$0x430];
	[tilespmem:s24+$0x20] =	vst v3  }
0x44: {  	v50 =	vld [tilespmem:s23+$0xFFFFFFD0];
	[tilespmem:s24+$0x30] =	vst v4  }
0x45: {  	v51 =	vld [tilespmem:s23+$0xFFFFFFE0];
	[tilespmem:s24+$0x40] =	vst v1  }
0x46: {  	v52 =	vld [tilespmem:s23+$0xFFFFFFF0];
	[tilespmem:s24+$0x50] =	vst v2  }
0x47: {  	s31 =	sadd.s32 $0x800, s24;
	v53 =	vld [tilespmem:s23+$0x0];
	[tilespmem:s24+$0xFFFFFBF0] =	vst v7  }
0x48: {  	v54 =	vld [tilespmem:s23+$0x10];
	[tilespmem:s31+$0x60] =	vst v49  }
0x49: {  	v55 =	vld [tilespmem:s23+$0x20];
	[tilespmem:s31+$0xFFFFFC00] =	vst v50  }
0x4a: {  	v56 =	vld [tilespmem:s23+$0x30];
	[tilespmem:s31+$0xFFFFFC10] =	vst v51  }
0x4b: {  	v57 =	vld [tilespmem:s23+$0x3D0];
	[tilespmem:s31+$0xFFFFFC20] =	vst v52  }
0x4c: {  	v58 =	vld [tilespmem:s23+$0x3E0];
	[tilespmem:s31+$0xFFFFFC30] =	vst v53  }
0x4d: {  	v59 =	vld [tilespmem:s23+$0x3F0];
	[tilespmem:s31+$0xFFFFFC40] =	vst v54  }
0x4e: {  	v60 =	vld [tilespmem:s23+$0x400];
	[tilespmem:s31+$0xFFFFFC50] =	vst v55  }
0x4f: {  	v61 =	vld [tilespmem:s23+$0xFFFFFFC0];
	[tilespmem:s31+$0xFFFFFC60] =	vst v56  }
0x50: {  	s25 =	sand.u32 $0x80, s26;
	s30 =	sadd.s32 s27, s17;
	v62 =	vld [tilespmem:s23+$0x410];
	[tilespmem:s31+$0x0] =	vst v57  }
0x51: {  	v63 =	vld [tilespmem:s23+$0x420];
	s21 =	sadd.s32 $0x1, s21;
	s25 =	sadd.s32 s25, s30;
	[tilespmem:s31+$0x10] =	vst v58  }
0x52: {  	p1 =	sne.s32 s21, $0x8;
	v0 =	vld.idx.msk [tilespmem:v0+s25+$0x400 ss:$0x1], $0xffff;
	[tilespmem:s31+$0x20] =	vst v59  }
.Ltmp4:
0x53: {  	[tilespmem:s31+$0x30] =	vst v60;
	(pc) =	sbr.rel @p1 .LBB1_3-.Ltmp4, $4  }
0x54: {  	[tilespmem:s31+$0xFFFFFBF0] =	vst v61  }
0x55: {  	[tilespmem:s31+$0x40] =	vst v62  }
0x56: {  	s22 =	sadd.s32 $0x800, s22;
	s14 =	sadd.s32 $0x800, s14;
	[tilespmem:s31+$0x50] =	vst v63  }
0x57: {  	s20 =	sadd.s32 $0x80, s20;
	p0 =	por !p0, !p0;
	s16 =	sadd.s32 $0x80, s16;
	[tilespmem:s22+$0x0] =	vst v0  }
.Ltmp5:
0x58: {  	(pc) =	sbr.rel .LBB1_7-.Ltmp5, $4  }
0x59: {  	s12 =	sshll.u32 s12, $0xC  }
0x5a: {  	s13 =	sshll.u32 s13, $0x8;
	s12 =	sadd.s32 s3, s12  }
0x5b: {  	s12 =	sadd.s32 s13, s12  }
0x5c: {  	[hbm4b:s12+s8] =	stream.linear.scatter [tilespmem:s15], [sflag:$0x2], $0x4000, $0x38;
	[tilespmem:$0x10000] =	vst v63  }
.LBB1_8:
0x5d: {  	_ =	sfence.sel $0x180000  }
0x5e: {  	s2 =	simm.s32 $0x1;
	[bflag:$0x0] =	sbarrier.arrive $0xFFFF  }
0x5f: {  	s31 =	simm.s32 $0x2;
	[sflag:s2] =	ssyncpa.u1 $0x1  }
0x60: {  	[sflag:s31] =	ssyncpa.u1 $0x1  }
0x61: {  	p0 =	sne.s32 s1, $0x0;
	_ =	strace $0x9000004A  }
0x62: {  	s0 =	sadd.s32 @!p0 $0x100000, s0;
	[bflag:$0x2] =	sbarrier.arrive $0xFFFF  }
0x63: {  	[sflag:s0] =	ssyncadd.tile.s32 @!p0 $0x1;
	_ =	shalt  }
.Lfunc_end1:
_tile_overlayer_lowered:
.L_overlay_start_2:
0x64: {  	(tag) =	ssettag $0x2  }
0x65: {  	s0 =	rddreg [dreg:$0x0];
	s2 =	stileid.u32  }
0x66: {  	s1 =	rddreg [dreg:$0x1];
	p0 =	sne.s32 s2, $0x0  }
0x67: {  	s3 =	rddreg [dreg:$0x2];
	[bflag:$0x3] =	sbarrier.arrive $0xFFFF;
	s2 =	simm.s32 @!p0 $0x1C01  }
0x68: {  	[timem:s3], [sflag:s2] =	dma.local @!p0 [hbm:s0], s1  }
0x69: {  	s0 =	simm.s32 @!p0 $0x1  }
0x6a: {  	_ =	swait.ge @!p0 [sflag:s0], s1  }
0x6b: {  	s1 =	ssub.s32 @!p0 $0x0, s1;
	[sflag:s0] =	ssyncset.done @!p0 $0x0  }
0x6c: {  	[sflag:s0] =	ssyncadd.s32 @!p0 s1  }
0x6d: {  	[bflag:$0x3] =	sbarrier.arrive $0xFFFF  }
0x6e: {  	_ =	shalt  }

</sc_bundles>
